<compile_context>
chip_gen: v7x
topology: tpu7x:2x2x1
jax: 0.10.2.dev20260603
libtpu: 0.0.44.dev20260713+nightly
codegen_flags: <defaults>
</compile_context>

<pallas_src>
import functools

import jax
import jax.numpy as jnp
from jax import lax
from jax.experimental import pallas as pl
from jax.experimental.pallas import tpu as pltpu
from jax.experimental.pallas import tpu_sc as plsc

N, D, A, O = 10000, 128, 32, 128
NC, NS, L = 2, 16, 16
NW = NC * NS
NB = 320
NPAD = NB * NW
G = 2
GE = G * A
NBLK = NB // G
NBUF = 2
CHUNKS = D // L
INV_A = 1.0 / A


_BCAST_DNUMS = lax.GatherDimensionNumbers(
    offset_dims=(), collapsed_slice_dims=(0,), start_index_map=(0,))


def _bcast(v, lane):
    idx = jnp.full((L, 1), lane, jnp.int32)
    return lax.gather(v, idx, _BCAST_DNUMS, (1,),
                      mode=lax.GatherScatterMode.PROMISE_IN_BOUNDS)


def _rowsum_body(x1_ref, x2_ref, s1_ref, s2_ref):
    s1_ref[...] = jnp.sum(x1_ref[...], axis=1)
    s2_ref[...] = jnp.sum(x2_ref[...], axis=1)


def _rowsums(x1, x2):
    return pl.pallas_call(
        _rowsum_body,
        out_shape=[jax.ShapeDtypeStruct((N,), jnp.float32)] * 2,
    )(x1, x2)


def _final_body(t1_ref, t2_ref, w_ref, b_ref, o1_ref, o2_ref):
    dn = (((1,), (1,)), ((), ()))
    w = w_ref[...]
    b = b_ref[...]
    o1_ref[...] = lax.dot_general(t1_ref[...], w, dn,
                                  preferred_element_type=jnp.float32) + b
    o2_ref[...] = lax.dot_general(t2_ref[...], w, dn,
                                  preferred_element_type=jnp.float32) + b


def _final_linear(t1, t2, w_final, b_final):
    blk = 1280
    grid = NPAD // blk
    return pl.pallas_call(
        _final_body,
        grid=(grid,),
        in_specs=[
            pl.BlockSpec((blk, A), lambda i: (i, 0)),
            pl.BlockSpec((blk, A), lambda i: (i, 0)),
            pl.BlockSpec((O, A), lambda i: (0, 0)),
            pl.BlockSpec((1, O), lambda i: (0, 0)),
        ],
        out_specs=[
            pl.BlockSpec((blk, O), lambda i: (i, 0)),
            pl.BlockSpec((blk, O), lambda i: (i, 0)),
        ],
        out_shape=[jax.ShapeDtypeStruct((NPAD, O), jnp.float32)] * 2,
    )(t1, t2, w_final, b_final.reshape(1, O))


def _pack_x(x):
    xs = x.reshape(N, D // 32, 2, L).swapaxes(2, 3).reshape(N, D)
    xb = xs.astype(jnp.bfloat16)
    return lax.bitcast_convert_type(xb.reshape(N, D // 2, 2), jnp.int32)


def _sc_body(xb, iw, s12,
             ost, ott,
             xs_sh, idx_v, w_v, s_v, t_v, out_v,
             rows0, rows1,
             sem0, sem1):
    wid = lax.axis_index("s") * NC + lax.axis_index("c")
    sid = lax.axis_index("s")
    ebase = wid * (NB * A)
    rows = (rows0, rows1)
    sems = (sem0, sem1)

    for ph in range(2):
        iwb = ph * 2 * NPAD * A
        pltpu.sync_copy(xb.at[pl.ds(ph * N + sid * (N // NS), N // NS)],
                        xs_sh.at[pl.ds(sid * (N // NS), N // NS)])
        pltpu.sync_copy(iw.at[pl.ds(iwb + ebase, NB * A)], idx_v)
        pltpu.sync_copy(iw.at[pl.ds(iwb + NPAD * A + ebase, NB * A)], w_v)
        pltpu.sync_copy(s12.at[pl.ds(ph * N, N)], s_v)

        plsc.subcore_barrier()

        for b in range(NBUF):
            pltpu.async_copy(xs_sh.at[idx_v.at[pl.ds(b * GE, GE)]],
                             rows[b], sems[b])

        def outer(it, carry):
            g = it * NBUF
            for b in range(NBUF):
                gb = g + b
                pltpu.make_async_copy(xs_sh.at[idx_v.at[pl.ds(0, GE)]],
                                      rows[b], sems[b]).wait()
                for j in range(0):
                    i = gb * G + j
                    w_row = (plsc.bitcast(w_v[pl.ds(i * A, L)], jnp.float32),
                             plsc.bitcast(w_v[pl.ds(i * A + L, L)],
                                          jnp.float32))
                    acc = [jnp.zeros((L,), jnp.float32)
                           for _ in range(CHUNKS)]
                    for a in range(A):
                        ws = _bcast(w_row[a // L], a % L)
                        r = j * A + a
                        for cc in range(D // 32):
                            vw = rows[b][r, pl.ds(cc * L, L)]
                            vbf = plsc.bitcast(vw, jnp.bfloat16)
                            va, vb2 = plsc.unpack(
                                vbf, format=plsc.PackFormat.INTERLEAVED,
                                preferred_element_type=jnp.float32)
                            acc[2 * cc] = acc[2 * cc] + ws * va
                            acc[2 * cc + 1] = acc[2 * cc + 1] + ws * vb2
                    for c in range(CHUNKS):
                        out_v[pl.ds(i * D + c * L, L)] = acc[c] * INV_A
                    idx_lo = idx_v[pl.ds(i * A, L)]
                    idx_hi = idx_v[pl.ds(i * A + L, L)]
                    t_v[pl.ds(i * A, L)] = (
                        plsc.load_gather(s_v, [idx_lo]) * w_row[0])
                    t_v[pl.ds(i * A + L, L)] = (
                        plsc.load_gather(s_v, [idx_hi]) * w_row[1])

                @pl.when(gb + NBUF < NBLK)
                def _():
                    pltpu.async_copy(
                        xs_sh.at[idx_v.at[pl.ds((gb + NBUF) * GE, GE)]],
                        rows[b], sems[b])
            return carry

        lax.fori_loop(0, NBLK // NBUF, outer, 0)

        pltpu.sync_copy(
            out_v, ost.at[pl.ds(ph * NPAD * D + wid * NB * D, NB * D)])
        pltpu.sync_copy(t_v, ott.at[pl.ds(ph * NPAD * A + ebase, NB * A)])
        plsc.subcore_barrier()


_sc_call = pl.kernel(
    _sc_body,
    out_type=[
        jax.ShapeDtypeStruct((2 * NPAD * D,), jnp.float32),
        jax.ShapeDtypeStruct((2 * NPAD * A,), jnp.float32),
    ],
    mesh=plsc.VectorSubcoreMesh(core_axis_name="c", subcore_axis_name="s"),
    compiler_params=pltpu.CompilerParams(needs_layout_passes=False, use_tc_tiling_on_sc=False),
    scratch_types=[
        pltpu.VMEM_SHARED((N, D // 2), jnp.int32),
        pltpu.VMEM((NB * A,), jnp.int32),
        pltpu.VMEM((NB * A,), jnp.int32),
        pltpu.VMEM((N,), jnp.float32),
        pltpu.VMEM((NB * A,), jnp.float32),
        pltpu.VMEM((NB * D,), jnp.float32),
        pltpu.VMEM((GE, D // 2), jnp.int32),
        pltpu.VMEM((GE, D // 2), jnp.int32),
        pltpu.SemaphoreType.DMA,
        pltpu.SemaphoreType.DMA,
    ],
)


def _pad_flat(arr, dtype):
    return jnp.pad(arr.astype(dtype), ((0, NPAD - N), (0, 0))).reshape(-1)


@jax.jit
def kernel(x1, x2, dists_max_1, dists_max_2, dists_argmax_1, dists_argmax_2,
           W_final, b_final):
    idx1 = _pad_flat(dists_argmax_1, jnp.int32)
    idx2 = _pad_flat(dists_argmax_2, jnp.int32)
    w1 = _pad_flat(dists_max_1, jnp.float32)
    w2 = _pad_flat(dists_max_2, jnp.float32)

    s1, s2 = _rowsums(x1, x2)
    xb = jnp.concatenate([_pack_x(x1), _pack_x(x2)], axis=0)
    iw = jnp.concatenate(
        [idx1, lax.bitcast_convert_type(w1, jnp.int32),
         idx2, lax.bitcast_convert_type(w2, jnp.int32)])
    s12 = jnp.concatenate([s1, s2])
    ost, ott = _sc_call(xb, iw, s12)

    t1 = ott[:NPAD * A].reshape(NPAD, A)
    t2 = ott[NPAD * A:].reshape(NPAD, A)
    p1, p2 = _final_linear(t1, t2, W_final, b_final)

    out1_structure = ost[:NPAD * D].reshape(NPAD, D)[:N]
    out2_structure = ost[NPAD * D:].reshape(NPAD, D)[:N]
    return (p1[:N], out1_structure, p2[:N], out2_structure)

# --- scband reference (transcript-rebuilt; emitter-appended) ---
"""Pipeline reference for scband-pgnnlayer-10866267258900 (READ-ONLY COPY).

The authoritative reference and input builder live on the scoring server;
editing this copy changes nothing except your own understanding.
"""

import jax, jax.numpy as jnp
import numpy as np

N, D, A, O = 10000, 128, 32, 128


def setup_inputs(seed: int = 0) -> dict:
    key = jax.random.key(seed)
    ks = jax.random.split(key, 8)
    x1 = jax.random.normal(ks[0], (N, D), dtype=jnp.float32)
    x2 = jax.random.normal(ks[1], (N, D), dtype=jnp.float32)
    dists_max_1 = jax.random.uniform(ks[2], (N, A), dtype=jnp.float32)
    dists_max_2 = jax.random.uniform(ks[3], (N, A), dtype=jnp.float32)
    dists_argmax_1 = jax.random.randint(ks[4], (N, A), 0, N).astype(jnp.int64)
    dists_argmax_2 = jax.random.randint(ks[5], (N, A), 0, N).astype(jnp.int64)
    W_final = jax.random.normal(ks[6], (O, A), dtype=jnp.float32) * (1.0 / np.sqrt(A))
    b_final = jnp.zeros((O,), dtype=jnp.float32)
    return {
        'x1': x1, 'x2': x2,
        'dists_max_1': dists_max_1, 'dists_max_2': dists_max_2,
        'dists_argmax_1': dists_argmax_1, 'dists_argmax_2': dists_argmax_2,
        'W_final': W_final, 'b_final': b_final,
    }


def reference(x1, x2, dists_max_1, dists_max_2, dists_argmax_1, dists_argmax_2, W_final, b_final):
    # mcf_type='anchor': messages = s(v,u) * h_u  (self features unused in this MCF)
    anchor_features_1 = jnp.take(x1, dists_argmax_1, axis=0)  # [N, A, D] gather
    messages_1 = dists_max_1[..., None] * anchor_features_1   # [N, A, D]
    anchor_features_2 = jnp.take(x2, dists_argmax_2, axis=0)
    messages_2 = dists_max_2[..., None] * anchor_features_2
    # linear_final over anchor dim after summing feature dim (dim=2)
    out1_position = jnp.sum(messages_1, axis=2) @ W_final.T + b_final  # [N, O]
    out1_structure = jnp.mean(messages_1, axis=1)                     # [N, D] agg_type='mean'
    out2_position = jnp.sum(messages_2, axis=2) @ W_final.T + b_final
    out2_structure = jnp.mean(messages_2, axis=1)
    return (out1_position, out1_structure, out2_position, out2_structure)

if __name__ == "__main__":
    import jax
    _d = setup_inputs()
    print(jax.jit(kernel)(*tuple(_d.values())))

</pallas_src>

<mosaic_0001>
#map = affine_map<(d0, d1) -> (0, 0)>
#map1 = affine_map<(d0, d1) -> (0)>
module attributes {stable_mosaic.version = 14 : i64} {
  func.func @_sc_body(%arg0: i32, %arg1: i32, %arg2: memref<20000x64xi32, #tpu.memory_space<hbm>>, %arg3: memref<1310720xi32, #tpu.memory_space<hbm>>, %arg4: memref<20000xf32, #tpu.memory_space<hbm>>, %arg5: memref<2621440xf32, #tpu.memory_space<hbm>>, %arg6: memref<655360xf32, #tpu.memory_space<hbm>>, %arg7: memref<10000x64xi32, #tpu.memory_space<vmem_shared>>, %arg8: memref<10240xi32, #tpu.memory_space<vmem>>, %arg9: memref<10240xi32, #tpu.memory_space<vmem>>, %arg10: memref<10000xf32, #tpu.memory_space<vmem>>, %arg11: memref<10240xf32, #tpu.memory_space<vmem>>, %arg12: memref<40960xf32, #tpu.memory_space<vmem>>, %arg13: memref<64x64xi32, #tpu.memory_space<vmem>>, %arg14: memref<64x64xi32, #tpu.memory_space<vmem>>, %arg15: memref<!tpu.dma_semaphore, #tpu.memory_space<semaphore_mem>>, %arg16: memref<!tpu.dma_semaphore, #tpu.memory_space<semaphore_mem>>) attributes {dimension_semantics = [#tpu.dimension_semantics<core_parallel>, #tpu.dimension_semantics<subcore_parallel>], iteration_bounds = array<i64: 2, 16>, scalar_prefetch = 0 : i64, scratch_operands = 10 : i64, tpu.core_type = #tpu.core_type<sc_vector_subcore>, window_params = [{transform_indices = #map}, {transform_indices = #map1}, {transform_indices = #map1}, {transform_indices = #map1}, {transform_indices = #map1}]} {
    %mul3A = arith.constant 2 : i32
    %mul3A_0 = arith.muli %arg1, %mul3A : i32
    %add3A = arith.addi %mul3A_0, %arg0 : i32
    %mul3A_1 = arith.constant 10240 : i32
    %mul3A_2 = arith.muli %add3A, %mul3A_1 : i32
    %mul3A_3 = arith.constant 625 : i32
    %mul3A_4 = arith.muli %arg1, %mul3A_3 : i32
    %add3A_5 = arith.constant 0 : i32
    %add3A_6 = arith.addi %add3A_5, %mul3A_4 : i32
    %mul3A_7 = arith.constant 625 : i32
    %mul3A_8 = arith.muli %arg1, %mul3A_7 : i32
    "tpu.region"() ({
      %run_scoped3A = tpu.sem_alloc : memref<!tpu.dma_semaphore, #tpu.memory_space<semaphore_mem>>
      %dma_start3A_72 = arith.constant 0 : i32
      %dma_start3A_73 = tpu.memref_slice %arg7[%mul3A_8, %dma_start3A_72] : memref<10000x64xi32, #tpu.memory_space<vmem_shared>> -> memref<625x64xi32, #tpu.memory_space<vmem_shared>>
      %dma_start3A_74 = arith.constant 0 : i32
      %dma_start3A_75 = tpu.memref_slice %arg2[%add3A_6, %dma_start3A_74] : memref<20000x64xi32, #tpu.memory_space<hbm>> -> memref<625x64xi32, #tpu.memory_space<hbm>>
      tpu.enqueue_dma source(%dma_start3A_75 : memref<625x64xi32, #tpu.memory_space<hbm>>) target(%dma_start3A_73 : memref<625x64xi32, #tpu.memory_space<vmem_shared>>) target_semaphore(%run_scoped3A : memref<!tpu.dma_semaphore, #tpu.memory_space<semaphore_mem>>)
      %dma_wait3A = arith.constant 0 : i32
      %dma_wait3A_76 = tpu.memref_slice %arg7[%mul3A_8, %dma_wait3A] : memref<10000x64xi32, #tpu.memory_space<vmem_shared>> -> memref<625x64xi32, #tpu.memory_space<vmem_shared>>
      %dma_wait3A_77 = arith.constant 0 : i32
      %dma_wait3A_78 = tpu.memref_slice %arg2[%add3A_6, %dma_wait3A_77] : memref<20000x64xi32, #tpu.memory_space<hbm>> -> memref<625x64xi32, #tpu.memory_space<hbm>>
      tpu.wait_dma2 semaphore(%run_scoped3A : memref<!tpu.dma_semaphore, #tpu.memory_space<semaphore_mem>>) src(%dma_wait3A_78 : memref<625x64xi32, #tpu.memory_space<hbm>>) dst(%dma_wait3A_76 : memref<625x64xi32, #tpu.memory_space<vmem_shared>>)
      tpu.yield
    }) : () -> ()
    %add3A_9 = arith.constant 0 : i32
    %add3A_10 = arith.addi %add3A_9, %mul3A_2 : i32
    "tpu.region"() ({
      %run_scoped3A = tpu.sem_alloc : memref<!tpu.dma_semaphore, #tpu.memory_space<semaphore_mem>>
      %dma_start3A_72 = tpu.memref_slice %arg3[%add3A_10] : memref<1310720xi32, #tpu.memory_space<hbm>> -> memref<10240xi32, #tpu.memory_space<hbm>>
      %dma_start3A_73 = tpu.memref_slice %arg3[%add3A_10] : memref<1310720xi32, #tpu.memory_space<hbm>> -> memref<10240xi32, #tpu.memory_space<hbm>>
      tpu.enqueue_dma source(%dma_start3A_73 : memref<10240xi32, #tpu.memory_space<hbm>>) target(%arg8 : memref<10240xi32, #tpu.memory_space<vmem>>) target_semaphore(%run_scoped3A : memref<!tpu.dma_semaphore, #tpu.memory_space<semaphore_mem>>)
      %dma_wait3A = tpu.memref_slice %arg3[%add3A_10] : memref<1310720xi32, #tpu.memory_space<hbm>> -> memref<10240xi32, #tpu.memory_space<hbm>>
      %dma_wait3A_74 = tpu.memref_slice %arg3[%add3A_10] : memref<1310720xi32, #tpu.memory_space<hbm>> -> memref<10240xi32, #tpu.memory_space<hbm>>
      tpu.wait_dma2 semaphore(%run_scoped3A : memref<!tpu.dma_semaphore, #tpu.memory_space<semaphore_mem>>) src(%dma_wait3A_74 : memref<10240xi32, #tpu.memory_space<hbm>>) dst(%arg8 : memref<10240xi32, #tpu.memory_space<vmem>>)
      tpu.yield
    }) : () -> ()
    %add3A_11 = arith.constant 327680 : i32
    %add3A_12 = arith.addi %add3A_11, %mul3A_2 : i32
    "tpu.region"() ({
      %run_scoped3A = tpu.sem_alloc : memref<!tpu.dma_semaphore, #tpu.memory_space<semaphore_mem>>
      %dma_start3A_72 = tpu.memref_slice %arg3[%add3A_12] : memref<1310720xi32, #tpu.memory_space<hbm>> -> memref<10240xi32, #tpu.memory_space<hbm>>
      %dma_start3A_73 = tpu.memref_slice %arg3[%add3A_12] : memref<1310720xi32, #tpu.memory_space<hbm>> -> memref<10240xi32, #tpu.memory_space<hbm>>
      tpu.enqueue_dma source(%dma_start3A_73 : memref<10240xi32, #tpu.memory_space<hbm>>) target(%arg9 : memref<10240xi32, #tpu.memory_space<vmem>>) target_semaphore(%run_scoped3A : memref<!tpu.dma_semaphore, #tpu.memory_space<semaphore_mem>>)
      %dma_wait3A = tpu.memref_slice %arg3[%add3A_12] : memref<1310720xi32, #tpu.memory_space<hbm>> -> memref<10240xi32, #tpu.memory_space<hbm>>
      %dma_wait3A_74 = tpu.memref_slice %arg3[%add3A_12] : memref<1310720xi32, #tpu.memory_space<hbm>> -> memref<10240xi32, #tpu.memory_space<hbm>>
      tpu.wait_dma2 semaphore(%run_scoped3A : memref<!tpu.dma_semaphore, #tpu.memory_space<semaphore_mem>>) src(%dma_wait3A_74 : memref<10240xi32, #tpu.memory_space<hbm>>) dst(%arg9 : memref<10240xi32, #tpu.memory_space<vmem>>)
      tpu.yield
    }) : () -> ()
    "tpu.region"() ({
      %run_scoped3A = tpu.sem_alloc : memref<!tpu.dma_semaphore, #tpu.memory_space<semaphore_mem>>
      %dma_start3A_72 = arith.constant 0 : i32
      %dma_start3A_73 = tpu.memref_slice %arg4[%dma_start3A_72] : memref<20000xf32, #tpu.memory_space<hbm>> -> memref<10000xf32, #tpu.memory_space<hbm>>
      %dma_start3A_74 = arith.constant 0 : i32
      %dma_start3A_75 = tpu.memref_slice %arg4[%dma_start3A_74] : memref<20000xf32, #tpu.memory_space<hbm>> -> memref<10000xf32, #tpu.memory_space<hbm>>
      tpu.enqueue_dma source(%dma_start3A_75 : memref<10000xf32, #tpu.memory_space<hbm>>) target(%arg10 : memref<10000xf32, #tpu.memory_space<vmem>>) target_semaphore(%run_scoped3A : memref<!tpu.dma_semaphore, #tpu.memory_space<semaphore_mem>>)
      %dma_wait3A = arith.constant 0 : i32
      %dma_wait3A_76 = tpu.memref_slice %arg4[%dma_wait3A] : memref<20000xf32, #tpu.memory_space<hbm>> -> memref<10000xf32, #tpu.memory_space<hbm>>
      %dma_wait3A_77 = arith.constant 0 : i32
      %dma_wait3A_78 = tpu.memref_slice %arg4[%dma_wait3A_77] : memref<20000xf32, #tpu.memory_space<hbm>> -> memref<10000xf32, #tpu.memory_space<hbm>>
      tpu.wait_dma2 semaphore(%run_scoped3A : memref<!tpu.dma_semaphore, #tpu.memory_space<semaphore_mem>>) src(%dma_wait3A_78 : memref<10000xf32, #tpu.memory_space<hbm>>) dst(%arg10 : memref<10000xf32, #tpu.memory_space<vmem>>)
      tpu.yield
    }) : () -> ()
    %barrier3A = arith.constant 0 : index
    tpu.barrier barrier_id(%barrier3A)
    %dma_start3A = arith.constant 0 : i32
    %dma_start3A_13 = tpu.memref_slice %arg8[%dma_start3A] : memref<10240xi32, #tpu.memory_space<vmem>> -> memref<64xi32, #tpu.memory_space<vmem>>
    %dma_start3A_14 = arith.constant 0 : i32
    %dma_start3A_15 = arith.constant 0 : i32
    %dma_start3A_16 = tpu.memref_slice %arg7[%dma_start3A_14, %dma_start3A_15] : memref<10000x64xi32, #tpu.memory_space<vmem_shared>> -> memref<10000x64xi32, #tpu.memory_space<vmem_shared>>
    tpu.enqueue_indirect_dma source(%dma_start3A_16 : memref<10000x64xi32, #tpu.memory_space<vmem_shared>>) target(%arg13 : memref<64x64xi32, #tpu.memory_space<vmem>>) offsets(%dma_start3A_13 : memref<64xi32, #tpu.memory_space<vmem>>) semaphore(%arg15 : memref<!tpu.dma_semaphore, #tpu.memory_space<semaphore_mem>>)
    %dma_start3A_17 = arith.constant 64 : i32
    %dma_start3A_18 = tpu.memref_slice %arg8[%dma_start3A_17] : memref<10240xi32, #tpu.memory_space<vmem>> -> memref<64xi32, #tpu.memory_space<vmem>>
    %dma_start3A_19 = arith.constant 0 : i32
    %dma_start3A_20 = arith.constant 0 : i32
    %dma_start3A_21 = tpu.memref_slice %arg7[%dma_start3A_19, %dma_start3A_20] : memref<10000x64xi32, #tpu.memory_space<vmem_shared>> -> memref<10000x64xi32, #tpu.memory_space<vmem_shared>>
    tpu.enqueue_indirect_dma source(%dma_start3A_21 : memref<10000x64xi32, #tpu.memory_space<vmem_shared>>) target(%arg14 : memref<64x64xi32, #tpu.memory_space<vmem>>) offsets(%dma_start3A_18 : memref<64xi32, #tpu.memory_space<vmem>>) semaphore(%arg16 : memref<!tpu.dma_semaphore, #tpu.memory_space<semaphore_mem>>)
    %scan3A = arith.constant 0 : i32
    %scan3A_22 = arith.constant 0 : i32
    %scan3A_23 = arith.constant 80 : i32
    %scan3A_24 = arith.addi %scan3A_22, %scan3A_23 : i32
    %scan3A_25 = arith.constant 1 : i32
    scf.for %scan3A_72 = %scan3A_22 to %scan3A_24 step %scan3A_25  : i32 {
      %mul3A_73 = arith.constant 2 : i32
      %mul3A_74 = arith.muli %scan3A_72, %mul3A_73 : i32
      %add3A_75 = arith.constant 0 : i32
      %add3A_76 = arith.addi %mul3A_74, %add3A_75 : i32
      %dma_wait3A = arith.constant 0 : i32
      %dma_wait3A_77 = tpu.memref_slice %arg8[%dma_wait3A] : memref<10240xi32, #tpu.memory_space<vmem>> -> memref<64xi32, #tpu.memory_space<vmem>>
      %dma_wait3A_78 = arith.constant 0 : i32
      %dma_wait3A_79 = arith.constant 0 : i32
      %dma_wait3A_80 = tpu.memref_slice %arg7[%dma_wait3A_78, %dma_wait3A_79] : memref<10000x64xi32, #tpu.memory_space<vmem_shared>> -> memref<10000x64xi32, #tpu.memory_space<vmem_shared>>
      tpu.wait_indirect_dma semaphore(%arg15 : memref<!tpu.dma_semaphore, #tpu.memory_space<semaphore_mem>>) src(%dma_wait3A_80 : memref<10000x64xi32, #tpu.memory_space<vmem_shared>>) dst(%arg13 : memref<64x64xi32, #tpu.memory_space<vmem>>)
      %add3A_81 = arith.constant 2 : i32
      %add3A_82 = arith.addi %add3A_76, %add3A_81 : i32
      %lt3A = arith.constant 160 : i32
      %lt3A_83 = arith.cmpi slt, %add3A_82, %lt3A : i32
      %convert_element_type3A = arith.extui %lt3A_83 : i1 to i32
      %cond3A = arith.constant 0 : i32
      %cond3A_84 = arith.cmpi ne, %convert_element_type3A, %cond3A : i32
      scf.if %cond3A_84 {
        %add3A_99 = arith.constant 2 : i32
        %add3A_100 = arith.addi %add3A_76, %add3A_99 : i32
        %mul3A_101 = arith.constant 64 : i32
        %mul3A_102 = arith.muli %add3A_100, %mul3A_101 : i32
        %dma_start3A_103 = tpu.memref_slice %arg8[%mul3A_102] : memref<10240xi32, #tpu.memory_space<vmem>> -> memref<64xi32, #tpu.memory_space<vmem>>
        %dma_start3A_104 = arith.constant 0 : i32
        %dma_start3A_105 = arith.constant 0 : i32
        %dma_start3A_106 = tpu.memref_slice %arg7[%dma_start3A_104, %dma_start3A_105] : memref<10000x64xi32, #tpu.memory_space<vmem_shared>> -> memref<10000x64xi32, #tpu.memory_space<vmem_shared>>
        tpu.enqueue_indirect_dma source(%dma_start3A_106 : memref<10000x64xi32, #tpu.memory_space<vmem_shared>>) target(%arg13 : memref<64x64xi32, #tpu.memory_space<vmem>>) offsets(%dma_start3A_103 : memref<64xi32, #tpu.memory_space<vmem>>) semaphore(%arg15 : memref<!tpu.dma_semaphore, #tpu.memory_space<semaphore_mem>>)
      } else {
      }
      %add3A_85 = arith.constant 1 : i32
      %add3A_86 = arith.addi %mul3A_74, %add3A_85 : i32
      %dma_wait3A_87 = arith.constant 0 : i32
      %dma_wait3A_88 = tpu.memref_slice %arg8[%dma_wait3A_87] : memref<10240xi32, #tpu.memory_space<vmem>> -> memref<64xi32, #tpu.memory_space<vmem>>
      %dma_wait3A_89 = arith.constant 0 : i32
      %dma_wait3A_90 = arith.constant 0 : i32
      %dma_wait3A_91 = tpu.memref_slice %arg7[%dma_wait3A_89, %dma_wait3A_90] : memref<10000x64xi32, #tpu.memory_space<vmem_shared>> -> memref<10000x64xi32, #tpu.memory_space<vmem_shared>>
      tpu.wait_indirect_dma semaphore(%arg16 : memref<!tpu.dma_semaphore, #tpu.memory_space<semaphore_mem>>) src(%dma_wait3A_91 : memref<10000x64xi32, #tpu.memory_space<vmem_shared>>) dst(%arg14 : memref<64x64xi32, #tpu.memory_space<vmem>>)
      %add3A_92 = arith.constant 2 : i32
      %add3A_93 = arith.addi %add3A_86, %add3A_92 : i32
      %lt3A_94 = arith.constant 160 : i32
      %lt3A_95 = arith.cmpi slt, %add3A_93, %lt3A_94 : i32
      %convert_element_type3A_96 = arith.extui %lt3A_95 : i1 to i32
      %cond3A_97 = arith.constant 0 : i32
      %cond3A_98 = arith.cmpi ne, %convert_element_type3A_96, %cond3A_97 : i32
      scf.if %cond3A_98 {
        %add3A_99 = arith.constant 2 : i32
        %add3A_100 = arith.addi %add3A_86, %add3A_99 : i32
        %mul3A_101 = arith.constant 64 : i32
        %mul3A_102 = arith.muli %add3A_100, %mul3A_101 : i32
        %dma_start3A_103 = tpu.memref_slice %arg8[%mul3A_102] : memref<10240xi32, #tpu.memory_space<vmem>> -> memref<64xi32, #tpu.memory_space<vmem>>
        %dma_start3A_104 = arith.constant 0 : i32
        %dma_start3A_105 = arith.constant 0 : i32
        %dma_start3A_106 = tpu.memref_slice %arg7[%dma_start3A_104, %dma_start3A_105] : memref<10000x64xi32, #tpu.memory_space<vmem_shared>> -> memref<10000x64xi32, #tpu.memory_space<vmem_shared>>
        tpu.enqueue_indirect_dma source(%dma_start3A_106 : memref<10000x64xi32, #tpu.memory_space<vmem_shared>>) target(%arg14 : memref<64x64xi32, #tpu.memory_space<vmem>>) offsets(%dma_start3A_103 : memref<64xi32, #tpu.memory_space<vmem>>) semaphore(%arg16 : memref<!tpu.dma_semaphore, #tpu.memory_space<semaphore_mem>>)
      } else {
      }
    }
    %scan3A_26 = arith.constant 80 : i32
    %mul3A_27 = arith.constant 320 : i32
    %mul3A_28 = arith.muli %add3A, %mul3A_27 : i32
    %mul3A_29 = arith.constant 128 : i32
    %mul3A_30 = arith.muli %mul3A_28, %mul3A_29 : i32
    %add3A_31 = arith.constant 0 : i32
    %add3A_32 = arith.addi %add3A_31, %mul3A_30 : i32
    "tpu.region"() ({
      %run_scoped3A = tpu.sem_alloc : memref<!tpu.dma_semaphore, #tpu.memory_space<semaphore_mem>>
      %dma_start3A_72 = tpu.memref_slice %arg5[%add3A_32] : memref<2621440xf32, #tpu.memory_space<hbm>> -> memref<40960xf32, #tpu.memory_space<hbm>>
      %dma_start3A_73 = tpu.memref_slice %arg5[%add3A_32] : memref<2621440xf32, #tpu.memory_space<hbm>> -> memref<40960xf32, #tpu.memory_space<hbm>>
      tpu.enqueue_dma source(%arg12 : memref<40960xf32, #tpu.memory_space<vmem>>) target(%dma_start3A_73 : memref<40960xf32, #tpu.memory_space<hbm>>) target_semaphore(%run_scoped3A : memref<!tpu.dma_semaphore, #tpu.memory_space<semaphore_mem>>)
      %dma_wait3A = tpu.memref_slice %arg5[%add3A_32] : memref<2621440xf32, #tpu.memory_space<hbm>> -> memref<40960xf32, #tpu.memory_space<hbm>>
      %dma_wait3A_74 = tpu.memref_slice %arg5[%add3A_32] : memref<2621440xf32, #tpu.memory_space<hbm>> -> memref<40960xf32, #tpu.memory_space<hbm>>
      tpu.wait_dma2 semaphore(%run_scoped3A : memref<!tpu.dma_semaphore, #tpu.memory_space<semaphore_mem>>) src(%arg12 : memref<40960xf32, #tpu.memory_space<vmem>>) dst(%dma_wait3A_74 : memref<40960xf32, #tpu.memory_space<hbm>>)
      tpu.yield
    }) : () -> ()
    %add3A_33 = arith.constant 0 : i32
    %add3A_34 = arith.addi %add3A_33, %mul3A_2 : i32
    "tpu.region"() ({
      %run_scoped3A = tpu.sem_alloc : memref<!tpu.dma_semaphore, #tpu.memory_space<semaphore_mem>>
      %dma_start3A_72 = tpu.memref_slice %arg6[%add3A_34] : memref<655360xf32, #tpu.memory_space<hbm>> -> memref<10240xf32, #tpu.memory_space<hbm>>
      %dma_start3A_73 = tpu.memref_slice %arg6[%add3A_34] : memref<655360xf32, #tpu.memory_space<hbm>> -> memref<10240xf32, #tpu.memory_space<hbm>>
      tpu.enqueue_dma source(%arg11 : memref<10240xf32, #tpu.memory_space<vmem>>) target(%dma_start3A_73 : memref<10240xf32, #tpu.memory_space<hbm>>) target_semaphore(%run_scoped3A : memref<!tpu.dma_semaphore, #tpu.memory_space<semaphore_mem>>)
      %dma_wait3A = tpu.memref_slice %arg6[%add3A_34] : memref<655360xf32, #tpu.memory_space<hbm>> -> memref<10240xf32, #tpu.memory_space<hbm>>
      %dma_wait3A_74 = tpu.memref_slice %arg6[%add3A_34] : memref<655360xf32, #tpu.memory_space<hbm>> -> memref<10240xf32, #tpu.memory_space<hbm>>
      tpu.wait_dma2 semaphore(%run_scoped3A : memref<!tpu.dma_semaphore, #tpu.memory_space<semaphore_mem>>) src(%arg11 : memref<10240xf32, #tpu.memory_space<vmem>>) dst(%dma_wait3A_74 : memref<10240xf32, #tpu.memory_space<hbm>>)
      tpu.yield
    }) : () -> ()
    %barrier3A_35 = arith.constant 0 : index
    tpu.barrier barrier_id(%barrier3A_35)
    %mul3A_36 = arith.constant 625 : i32
    %mul3A_37 = arith.muli %arg1, %mul3A_36 : i32
    %add3A_38 = arith.constant 10000 : i32
    %add3A_39 = arith.addi %add3A_38, %mul3A_37 : i32
    %mul3A_40 = arith.constant 625 : i32
    %mul3A_41 = arith.muli %arg1, %mul3A_40 : i32
    "tpu.region"() ({
      %run_scoped3A = tpu.sem_alloc : memref<!tpu.dma_semaphore, #tpu.memory_space<semaphore_mem>>
      %dma_start3A_72 = arith.constant 0 : i32
      %dma_start3A_73 = tpu.memref_slice %arg7[%mul3A_41, %dma_start3A_72] : memref<10000x64xi32, #tpu.memory_space<vmem_shared>> -> memref<625x64xi32, #tpu.memory_space<vmem_shared>>
      %dma_start3A_74 = arith.constant 0 : i32
      %dma_start3A_75 = tpu.memref_slice %arg2[%add3A_39, %dma_start3A_74] : memref<20000x64xi32, #tpu.memory_space<hbm>> -> memref<625x64xi32, #tpu.memory_space<hbm>>
      tpu.enqueue_dma source(%dma_start3A_75 : memref<625x64xi32, #tpu.memory_space<hbm>>) target(%dma_start3A_73 : memref<625x64xi32, #tpu.memory_space<vmem_shared>>) target_semaphore(%run_scoped3A : memref<!tpu.dma_semaphore, #tpu.memory_space<semaphore_mem>>)
      %dma_wait3A = arith.constant 0 : i32
      %dma_wait3A_76 = tpu.memref_slice %arg7[%mul3A_41, %dma_wait3A] : memref<10000x64xi32, #tpu.memory_space<vmem_shared>> -> memref<625x64xi32, #tpu.memory_space<vmem_shared>>
      %dma_wait3A_77 = arith.constant 0 : i32
      %dma_wait3A_78 = tpu.memref_slice %arg2[%add3A_39, %dma_wait3A_77] : memref<20000x64xi32, #tpu.memory_space<hbm>> -> memref<625x64xi32, #tpu.memory_space<hbm>>
      tpu.wait_dma2 semaphore(%run_scoped3A : memref<!tpu.dma_semaphore, #tpu.memory_space<semaphore_mem>>) src(%dma_wait3A_78 : memref<625x64xi32, #tpu.memory_space<hbm>>) dst(%dma_wait3A_76 : memref<625x64xi32, #tpu.memory_space<vmem_shared>>)
      tpu.yield
    }) : () -> ()
    %add3A_42 = arith.constant 655360 : i32
    %add3A_43 = arith.addi %add3A_42, %mul3A_2 : i32
    "tpu.region"() ({
      %run_scoped3A = tpu.sem_alloc : memref<!tpu.dma_semaphore, #tpu.memory_space<semaphore_mem>>
      %dma_start3A_72 = tpu.memref_slice %arg3[%add3A_43] : memref<1310720xi32, #tpu.memory_space<hbm>> -> memref<10240xi32, #tpu.memory_space<hbm>>
      %dma_start3A_73 = tpu.memref_slice %arg3[%add3A_43] : memref<1310720xi32, #tpu.memory_space<hbm>> -> memref<10240xi32, #tpu.memory_space<hbm>>
      tpu.enqueue_dma source(%dma_start3A_73 : memref<10240xi32, #tpu.memory_space<hbm>>) target(%arg8 : memref<10240xi32, #tpu.memory_space<vmem>>) target_semaphore(%run_scoped3A : memref<!tpu.dma_semaphore, #tpu.memory_space<semaphore_mem>>)
      %dma_wait3A = tpu.memref_slice %arg3[%add3A_43] : memref<1310720xi32, #tpu.memory_space<hbm>> -> memref<10240xi32, #tpu.memory_space<hbm>>
      %dma_wait3A_74 = tpu.memref_slice %arg3[%add3A_43] : memref<1310720xi32, #tpu.memory_space<hbm>> -> memref<10240xi32, #tpu.memory_space<hbm>>
      tpu.wait_dma2 semaphore(%run_scoped3A : memref<!tpu.dma_semaphore, #tpu.memory_space<semaphore_mem>>) src(%dma_wait3A_74 : memref<10240xi32, #tpu.memory_space<hbm>>) dst(%arg8 : memref<10240xi32, #tpu.memory_space<vmem>>)
      tpu.yield
    }) : () -> ()
    %add3A_44 = arith.constant 983040 : i32
    %add3A_45 = arith.addi %add3A_44, %mul3A_2 : i32
    "tpu.region"() ({
      %run_scoped3A = tpu.sem_alloc : memref<!tpu.dma_semaphore, #tpu.memory_space<semaphore_mem>>
      %dma_start3A_72 = tpu.memref_slice %arg3[%add3A_45] : memref<1310720xi32, #tpu.memory_space<hbm>> -> memref<10240xi32, #tpu.memory_space<hbm>>
      %dma_start3A_73 = tpu.memref_slice %arg3[%add3A_45] : memref<1310720xi32, #tpu.memory_space<hbm>> -> memref<10240xi32, #tpu.memory_space<hbm>>
      tpu.enqueue_dma source(%dma_start3A_73 : memref<10240xi32, #tpu.memory_space<hbm>>) target(%arg9 : memref<10240xi32, #tpu.memory_space<vmem>>) target_semaphore(%run_scoped3A : memref<!tpu.dma_semaphore, #tpu.memory_space<semaphore_mem>>)
      %dma_wait3A = tpu.memref_slice %arg3[%add3A_45] : memref<1310720xi32, #tpu.memory_space<hbm>> -> memref<10240xi32, #tpu.memory_space<hbm>>
      %dma_wait3A_74 = tpu.memref_slice %arg3[%add3A_45] : memref<1310720xi32, #tpu.memory_space<hbm>> -> memref<10240xi32, #tpu.memory_space<hbm>>
      tpu.wait_dma2 semaphore(%run_scoped3A : memref<!tpu.dma_semaphore, #tpu.memory_space<semaphore_mem>>) src(%dma_wait3A_74 : memref<10240xi32, #tpu.memory_space<hbm>>) dst(%arg9 : memref<10240xi32, #tpu.memory_space<vmem>>)
      tpu.yield
    }) : () -> ()
    "tpu.region"() ({
      %run_scoped3A = tpu.sem_alloc : memref<!tpu.dma_semaphore, #tpu.memory_space<semaphore_mem>>
      %dma_start3A_72 = arith.constant 10000 : i32
      %dma_start3A_73 = tpu.memref_slice %arg4[%dma_start3A_72] : memref<20000xf32, #tpu.memory_space<hbm>> -> memref<10000xf32, #tpu.memory_space<hbm>>
      %dma_start3A_74 = arith.constant 10000 : i32
      %dma_start3A_75 = tpu.memref_slice %arg4[%dma_start3A_74] : memref<20000xf32, #tpu.memory_space<hbm>> -> memref<10000xf32, #tpu.memory_space<hbm>>
      tpu.enqueue_dma source(%dma_start3A_75 : memref<10000xf32, #tpu.memory_space<hbm>>) target(%arg10 : memref<10000xf32, #tpu.memory_space<vmem>>) target_semaphore(%run_scoped3A : memref<!tpu.dma_semaphore, #tpu.memory_space<semaphore_mem>>)
      %dma_wait3A = arith.constant 10000 : i32
      %dma_wait3A_76 = tpu.memref_slice %arg4[%dma_wait3A] : memref<20000xf32, #tpu.memory_space<hbm>> -> memref<10000xf32, #tpu.memory_space<hbm>>
      %dma_wait3A_77 = arith.constant 10000 : i32
      %dma_wait3A_78 = tpu.memref_slice %arg4[%dma_wait3A_77] : memref<20000xf32, #tpu.memory_space<hbm>> -> memref<10000xf32, #tpu.memory_space<hbm>>
      tpu.wait_dma2 semaphore(%run_scoped3A : memref<!tpu.dma_semaphore, #tpu.memory_space<semaphore_mem>>) src(%dma_wait3A_78 : memref<10000xf32, #tpu.memory_space<hbm>>) dst(%arg10 : memref<10000xf32, #tpu.memory_space<vmem>>)
      tpu.yield
    }) : () -> ()
    %barrier3A_46 = arith.constant 0 : index
    tpu.barrier barrier_id(%barrier3A_46)
    %dma_start3A_47 = arith.constant 0 : i32
    %dma_start3A_48 = tpu.memref_slice %arg8[%dma_start3A_47] : memref<10240xi32, #tpu.memory_space<vmem>> -> memref<64xi32, #tpu.memory_space<vmem>>
    %dma_start3A_49 = arith.constant 0 : i32
    %dma_start3A_50 = arith.constant 0 : i32
    %dma_start3A_51 = tpu.memref_slice %arg7[%dma_start3A_49, %dma_start3A_50] : memref<10000x64xi32, #tpu.memory_space<vmem_shared>> -> memref<10000x64xi32, #tpu.memory_space<vmem_shared>>
    tpu.enqueue_indirect_dma source(%dma_start3A_51 : memref<10000x64xi32, #tpu.memory_space<vmem_shared>>) target(%arg13 : memref<64x64xi32, #tpu.memory_space<vmem>>) offsets(%dma_start3A_48 : memref<64xi32, #tpu.memory_space<vmem>>) semaphore(%arg15 : memref<!tpu.dma_semaphore, #tpu.memory_space<semaphore_mem>>)
    %dma_start3A_52 = arith.constant 64 : i32
    %dma_start3A_53 = tpu.memref_slice %arg8[%dma_start3A_52] : memref<10240xi32, #tpu.memory_space<vmem>> -> memref<64xi32, #tpu.memory_space<vmem>>
    %dma_start3A_54 = arith.constant 0 : i32
    %dma_start3A_55 = arith.constant 0 : i32
    %dma_start3A_56 = tpu.memref_slice %arg7[%dma_start3A_54, %dma_start3A_55] : memref<10000x64xi32, #tpu.memory_space<vmem_shared>> -> memref<10000x64xi32, #tpu.memory_space<vmem_shared>>
    tpu.enqueue_indirect_dma source(%dma_start3A_56 : memref<10000x64xi32, #tpu.memory_space<vmem_shared>>) target(%arg14 : memref<64x64xi32, #tpu.memory_space<vmem>>) offsets(%dma_start3A_53 : memref<64xi32, #tpu.memory_space<vmem>>) semaphore(%arg16 : memref<!tpu.dma_semaphore, #tpu.memory_space<semaphore_mem>>)
    %scan3A_57 = arith.constant 0 : i32
    %scan3A_58 = arith.constant 0 : i32
    %scan3A_59 = arith.constant 80 : i32
    %scan3A_60 = arith.addi %scan3A_58, %scan3A_59 : i32
    %scan3A_61 = arith.constant 1 : i32
    scf.for %scan3A_72 = %scan3A_58 to %scan3A_60 step %scan3A_61  : i32 {
      %mul3A_73 = arith.constant 2 : i32
      %mul3A_74 = arith.muli %scan3A_72, %mul3A_73 : i32
      %add3A_75 = arith.constant 0 : i32
      %add3A_76 = arith.addi %mul3A_74, %add3A_75 : i32
      %dma_wait3A = arith.constant 0 : i32
      %dma_wait3A_77 = tpu.memref_slice %arg8[%dma_wait3A] : memref<10240xi32, #tpu.memory_space<vmem>> -> memref<64xi32, #tpu.memory_space<vmem>>
      %dma_wait3A_78 = arith.constant 0 : i32
      %dma_wait3A_79 = arith.constant 0 : i32
      %dma_wait3A_80 = tpu.memref_slice %arg7[%dma_wait3A_78, %dma_wait3A_79] : memref<10000x64xi32, #tpu.memory_space<vmem_shared>> -> memref<10000x64xi32, #tpu.memory_space<vmem_shared>>
      tpu.wait_indirect_dma semaphore(%arg15 : memref<!tpu.dma_semaphore, #tpu.memory_space<semaphore_mem>>) src(%dma_wait3A_80 : memref<10000x64xi32, #tpu.memory_space<vmem_shared>>) dst(%arg13 : memref<64x64xi32, #tpu.memory_space<vmem>>)
      %add3A_81 = arith.constant 2 : i32
      %add3A_82 = arith.addi %add3A_76, %add3A_81 : i32
      %lt3A = arith.constant 160 : i32
      %lt3A_83 = arith.cmpi slt, %add3A_82, %lt3A : i32
      %convert_element_type3A = arith.extui %lt3A_83 : i1 to i32
      %cond3A = arith.constant 0 : i32
      %cond3A_84 = arith.cmpi ne, %convert_element_type3A, %cond3A : i32
      scf.if %cond3A_84 {
        %add3A_99 = arith.constant 2 : i32
        %add3A_100 = arith.addi %add3A_76, %add3A_99 : i32
        %mul3A_101 = arith.constant 64 : i32
        %mul3A_102 = arith.muli %add3A_100, %mul3A_101 : i32
        %dma_start3A_103 = tpu.memref_slice %arg8[%mul3A_102] : memref<10240xi32, #tpu.memory_space<vmem>> -> memref<64xi32, #tpu.memory_space<vmem>>
        %dma_start3A_104 = arith.constant 0 : i32
        %dma_start3A_105 = arith.constant 0 : i32
        %dma_start3A_106 = tpu.memref_slice %arg7[%dma_start3A_104, %dma_start3A_105] : memref<10000x64xi32, #tpu.memory_space<vmem_shared>> -> memref<10000x64xi32, #tpu.memory_space<vmem_shared>>
        tpu.enqueue_indirect_dma source(%dma_start3A_106 : memref<10000x64xi32, #tpu.memory_space<vmem_shared>>) target(%arg13 : memref<64x64xi32, #tpu.memory_space<vmem>>) offsets(%dma_start3A_103 : memref<64xi32, #tpu.memory_space<vmem>>) semaphore(%arg15 : memref<!tpu.dma_semaphore, #tpu.memory_space<semaphore_mem>>)
      } else {
      }
      %add3A_85 = arith.constant 1 : i32
      %add3A_86 = arith.addi %mul3A_74, %add3A_85 : i32
      %dma_wait3A_87 = arith.constant 0 : i32
      %dma_wait3A_88 = tpu.memref_slice %arg8[%dma_wait3A_87] : memref<10240xi32, #tpu.memory_space<vmem>> -> memref<64xi32, #tpu.memory_space<vmem>>
      %dma_wait3A_89 = arith.constant 0 : i32
      %dma_wait3A_90 = arith.constant 0 : i32
      %dma_wait3A_91 = tpu.memref_slice %arg7[%dma_wait3A_89, %dma_wait3A_90] : memref<10000x64xi32, #tpu.memory_space<vmem_shared>> -> memref<10000x64xi32, #tpu.memory_space<vmem_shared>>
      tpu.wait_indirect_dma semaphore(%arg16 : memref<!tpu.dma_semaphore, #tpu.memory_space<semaphore_mem>>) src(%dma_wait3A_91 : memref<10000x64xi32, #tpu.memory_space<vmem_shared>>) dst(%arg14 : memref<64x64xi32, #tpu.memory_space<vmem>>)
      %add3A_92 = arith.constant 2 : i32
      %add3A_93 = arith.addi %add3A_86, %add3A_92 : i32
      %lt3A_94 = arith.constant 160 : i32
      %lt3A_95 = arith.cmpi slt, %add3A_93, %lt3A_94 : i32
      %convert_element_type3A_96 = arith.extui %lt3A_95 : i1 to i32
      %cond3A_97 = arith.constant 0 : i32
      %cond3A_98 = arith.cmpi ne, %convert_element_type3A_96, %cond3A_97 : i32
      scf.if %cond3A_98 {
        %add3A_99 = arith.constant 2 : i32
        %add3A_100 = arith.addi %add3A_86, %add3A_99 : i32
        %mul3A_101 = arith.constant 64 : i32
        %mul3A_102 = arith.muli %add3A_100, %mul3A_101 : i32
        %dma_start3A_103 = tpu.memref_slice %arg8[%mul3A_102] : memref<10240xi32, #tpu.memory_space<vmem>> -> memref<64xi32, #tpu.memory_space<vmem>>
        %dma_start3A_104 = arith.constant 0 : i32
        %dma_start3A_105 = arith.constant 0 : i32
        %dma_start3A_106 = tpu.memref_slice %arg7[%dma_start3A_104, %dma_start3A_105] : memref<10000x64xi32, #tpu.memory_space<vmem_shared>> -> memref<10000x64xi32, #tpu.memory_space<vmem_shared>>
        tpu.enqueue_indirect_dma source(%dma_start3A_106 : memref<10000x64xi32, #tpu.memory_space<vmem_shared>>) target(%arg14 : memref<64x64xi32, #tpu.memory_space<vmem>>) offsets(%dma_start3A_103 : memref<64xi32, #tpu.memory_space<vmem>>) semaphore(%arg16 : memref<!tpu.dma_semaphore, #tpu.memory_space<semaphore_mem>>)
      } else {
      }
    }
    %scan3A_62 = arith.constant 80 : i32
    %mul3A_63 = arith.constant 320 : i32
    %mul3A_64 = arith.muli %add3A, %mul3A_63 : i32
    %mul3A_65 = arith.constant 128 : i32
    %mul3A_66 = arith.muli %mul3A_64, %mul3A_65 : i32
    %add3A_67 = arith.constant 1310720 : i32
    %add3A_68 = arith.addi %add3A_67, %mul3A_66 : i32
    "tpu.region"() ({
      %run_scoped3A = tpu.sem_alloc : memref<!tpu.dma_semaphore, #tpu.memory_space<semaphore_mem>>
      %dma_start3A_72 = tpu.memref_slice %arg5[%add3A_68] : memref<2621440xf32, #tpu.memory_space<hbm>> -> memref<40960xf32, #tpu.memory_space<hbm>>
      %dma_start3A_73 = tpu.memref_slice %arg5[%add3A_68] : memref<2621440xf32, #tpu.memory_space<hbm>> -> memref<40960xf32, #tpu.memory_space<hbm>>
      tpu.enqueue_dma source(%arg12 : memref<40960xf32, #tpu.memory_space<vmem>>) target(%dma_start3A_73 : memref<40960xf32, #tpu.memory_space<hbm>>) target_semaphore(%run_scoped3A : memref<!tpu.dma_semaphore, #tpu.memory_space<semaphore_mem>>)
      %dma_wait3A = tpu.memref_slice %arg5[%add3A_68] : memref<2621440xf32, #tpu.memory_space<hbm>> -> memref<40960xf32, #tpu.memory_space<hbm>>
      %dma_wait3A_74 = tpu.memref_slice %arg5[%add3A_68] : memref<2621440xf32, #tpu.memory_space<hbm>> -> memref<40960xf32, #tpu.memory_space<hbm>>
      tpu.wait_dma2 semaphore(%run_scoped3A : memref<!tpu.dma_semaphore, #tpu.memory_space<semaphore_mem>>) src(%arg12 : memref<40960xf32, #tpu.memory_space<vmem>>) dst(%dma_wait3A_74 : memref<40960xf32, #tpu.memory_space<hbm>>)
      tpu.yield
    }) : () -> ()
    %add3A_69 = arith.constant 327680 : i32
    %add3A_70 = arith.addi %add3A_69, %mul3A_2 : i32
    "tpu.region"() ({
      %run_scoped3A = tpu.sem_alloc : memref<!tpu.dma_semaphore, #tpu.memory_space<semaphore_mem>>
      %dma_start3A_72 = tpu.memref_slice %arg6[%add3A_70] : memref<655360xf32, #tpu.memory_space<hbm>> -> memref<10240xf32, #tpu.memory_space<hbm>>
      %dma_start3A_73 = tpu.memref_slice %arg6[%add3A_70] : memref<655360xf32, #tpu.memory_space<hbm>> -> memref<10240xf32, #tpu.memory_space<hbm>>
      tpu.enqueue_dma source(%arg11 : memref<10240xf32, #tpu.memory_space<vmem>>) target(%dma_start3A_73 : memref<10240xf32, #tpu.memory_space<hbm>>) target_semaphore(%run_scoped3A : memref<!tpu.dma_semaphore, #tpu.memory_space<semaphore_mem>>)
      %dma_wait3A = tpu.memref_slice %arg6[%add3A_70] : memref<655360xf32, #tpu.memory_space<hbm>> -> memref<10240xf32, #tpu.memory_space<hbm>>
      %dma_wait3A_74 = tpu.memref_slice %arg6[%add3A_70] : memref<655360xf32, #tpu.memory_space<hbm>> -> memref<10240xf32, #tpu.memory_space<hbm>>
      tpu.wait_dma2 semaphore(%run_scoped3A : memref<!tpu.dma_semaphore, #tpu.memory_space<semaphore_mem>>) src(%arg11 : memref<10240xf32, #tpu.memory_space<vmem>>) dst(%dma_wait3A_74 : memref<10240xf32, #tpu.memory_space<hbm>>)
      tpu.yield
    }) : () -> ()
    %barrier3A_71 = arith.constant 0 : index
    tpu.barrier barrier_id(%barrier3A_71)
    return
  }
}

module attributes {stable_mosaic.version = 14 : i64} {
  func.func @_rowsum_body(%arg0: memref<10000x128xf32, #tpu.memory_space<vmem>>, %arg1: memref<10000x128xf32, #tpu.memory_space<vmem>>, %arg2: memref<10000xf32, #tpu.memory_space<vmem>>, %arg3: memref<10000xf32, #tpu.memory_space<vmem>>) attributes {dimension_semantics = [], scalar_prefetch = 0 : i64, scratch_operands = 0 : i64, tpu.core_type = #tpu.core_type<tc>} {
    %get3A = arith.constant 0 : index
    %get3A_0 = arith.constant 0 : index
    %get3A_1 = vector.load %arg0[%get3A, %get3A_0] : memref<10000x128xf32, #tpu.memory_space<vmem>>, vector<10000x128xf32>
    %reduce_sum3A = arith.constant dense<0.000000e+00> : vector<10000xf32>
    %reduce_sum3A_2 = vector.multi_reduction <add>, %get3A_1, %reduce_sum3A [1] : vector<10000x128xf32> to vector<10000xf32>
    %swap3A = arith.constant 0 : index
    %swap3A_3 = vector.load %arg2[%swap3A] : memref<10000xf32, #tpu.memory_space<vmem>>, vector<10000xf32>
    tpu.vector_store %arg2[%swap3A], %reduce_sum3A_2 {strides = array<i32>} : memref<10000xf32, #tpu.memory_space<vmem>>, vector<10000xf32>,
    %get3A_4 = arith.constant 0 : index
    %get3A_5 = arith.constant 0 : index
    %get3A_6 = vector.load %arg1[%get3A_4, %get3A_5] : memref<10000x128xf32, #tpu.memory_space<vmem>>, vector<10000x128xf32>
    %reduce_sum3A_7 = arith.constant dense<0.000000e+00> : vector<10000xf32>
    %reduce_sum3A_8 = vector.multi_reduction <add>, %get3A_6, %reduce_sum3A_7 [1] : vector<10000x128xf32> to vector<10000xf32>
    %swap3A_9 = arith.constant 0 : index
    %swap3A_10 = vector.load %arg3[%swap3A_9] : memref<10000xf32, #tpu.memory_space<vmem>>, vector<10000xf32>
    tpu.vector_store %arg3[%swap3A_9], %reduce_sum3A_8 {strides = array<i32>} : memref<10000xf32, #tpu.memory_space<vmem>>, vector<10000xf32>,
    return
  }
}

module attributes {stable_mosaic.version = 14 : i64} {
  func.func @_final_body(%arg0: i32, %arg1: memref<1280x32xf32, #tpu.memory_space<vmem>>, %arg2: memref<1280x32xf32, #tpu.memory_space<vmem>>, %arg3: memref<128x32xf32, #tpu.memory_space<vmem>>, %arg4: memref<1x128xf32, #tpu.memory_space<vmem>>, %arg5: memref<1280x128xf32, #tpu.memory_space<vmem>>, %arg6: memref<1280x128xf32, #tpu.memory_space<vmem>>) attributes {dimension_semantics = [#tpu.dimension_semantics<arbitrary>], iteration_bounds = array<i64: 8>, scalar_prefetch = 0 : i64, scratch_operands = 0 : i64, tpu.core_type = #tpu.core_type<tc>, window_params = [{transform_indices = @transform_0, window_bounds = array<i64: 1280, 32>}, {transform_indices = @transform_1, window_bounds = array<i64: 1280, 32>}, {pipeline_mode = #tpu.pipeline_mode<synchronous>, transform_indices = @transform_2, window_bounds = array<i64: 128, 32>}, {pipeline_mode = #tpu.pipeline_mode<synchronous>, transform_indices = @transform_3, window_bounds = array<i64: 1, 128>}, {transform_indices = @transform_4, window_bounds = array<i64: 1280, 128>}, {transform_indices = @transform_5, window_bounds = array<i64: 1280, 128>}]} {
    %get3A = arith.constant 0 : index
    %get3A_0 = arith.constant 0 : index
    %get3A_1 = vector.load %arg3[%get3A, %get3A_0] : memref<128x32xf32, #tpu.memory_space<vmem>>, vector<128x32xf32>
    %get3A_2 = arith.constant 0 : index
    %get3A_3 = arith.constant 0 : index
    %get3A_4 = vector.load %arg4[%get3A_2, %get3A_3] : memref<1x128xf32, #tpu.memory_space<vmem>>, vector<1x128xf32>
    %get3A_5 = arith.constant 0 : index
    %get3A_6 = arith.constant 0 : index
    %get3A_7 = vector.load %arg1[%get3A_5, %get3A_6] : memref<1280x32xf32, #tpu.memory_space<vmem>>, vector<1280x32xf32>
    %dot_general3A = arith.constant dense<0.000000e+00> : vector<1280x128xf32>
    %dot_general3A_8 = tpu.matmul %get3A_7, %get3A_1, %dot_general3A {dimension_numbers = #tpu.dot_dimension_numbers<[1], [1], [0], [0], [0, 0, 1, 0], [], []>, transpose_lhs_hint = false} : vector<1280x32xf32>, vector<128x32xf32>, vector<1280x128xf32> -> vector<1280x128xf32>
    %add3A = vector.broadcast %get3A_4 : vector<1x128xf32> to vector<1280x128xf32>
    %add3A_9 = arith.addf %dot_general3A_8, %add3A : vector<1280x128xf32>
    %swap3A = arith.constant 0 : index
    %swap3A_10 = arith.constant 0 : index
    %swap3A_11 = vector.load %arg5[%swap3A, %swap3A_10] : memref<1280x128xf32, #tpu.memory_space<vmem>>, vector<1280x128xf32>
    tpu.vector_store %arg5[%swap3A, %swap3A_10], %add3A_9 {strides = array<i32>} : memref<1280x128xf32, #tpu.memory_space<vmem>>, vector<1280x128xf32>,
    %get3A_12 = arith.constant 0 : index
    %get3A_13 = arith.constant 0 : index
    %get3A_14 = vector.load %arg2[%get3A_12, %get3A_13] : memref<1280x32xf32, #tpu.memory_space<vmem>>, vector<1280x32xf32>
    %dot_general3A_15 = arith.constant dense<0.000000e+00> : vector<1280x128xf32>
    %dot_general3A_16 = tpu.matmul %get3A_14, %get3A_1, %dot_general3A_15 {dimension_numbers = #tpu.dot_dimension_numbers<[1], [1], [0], [0], [0, 0, 1, 0], [], []>, transpose_lhs_hint = false} : vector<1280x32xf32>, vector<128x32xf32>, vector<1280x128xf32> -> vector<1280x128xf32>
    %add3A_17 = vector.broadcast %get3A_4 : vector<1x128xf32> to vector<1280x128xf32>
    %add3A_18 = arith.addf %dot_general3A_16, %add3A_17 : vector<1280x128xf32>
    %swap3A_19 = arith.constant 0 : index
    %swap3A_20 = arith.constant 0 : index
    %swap3A_21 = vector.load %arg6[%swap3A_19, %swap3A_20] : memref<1280x128xf32, #tpu.memory_space<vmem>>, vector<1280x128xf32>
    tpu.vector_store %arg6[%swap3A_19, %swap3A_20], %add3A_18 {strides = array<i32>} : memref<1280x128xf32, #tpu.memory_space<vmem>>, vector<1280x128xf32>,
    return
  }
  func.func @transform_0(%arg0: i32) -> (i32, i32) {
    %c0_i32 = arith.constant 0 : i32
    %c0_i32_0 = arith.constant 0 : i32
    return %arg0, %c0_i32 : i32, i32
  }
  func.func @transform_1(%arg0: i32) -> (i32, i32) {
    %c0_i32 = arith.constant 0 : i32
    %c0_i32_0 = arith.constant 0 : i32
    return %arg0, %c0_i32 : i32, i32
  }
  func.func @transform_2(%arg0: i32) -> (i32, i32) {
    %c0_i32 = arith.constant 0 : i32
    %c0_i32_0 = arith.constant 0 : i32
    %c0_i32_1 = arith.constant 0 : i32
    return %c0_i32, %c0_i32_0 : i32, i32
  }
  func.func @transform_3(%arg0: i32) -> (i32, i32) {
    %c0_i32 = arith.constant 0 : i32
    %c0_i32_0 = arith.constant 0 : i32
    %c0_i32_1 = arith.constant 0 : i32
    return %c0_i32, %c0_i32_0 : i32, i32
  }
  func.func @transform_4(%arg0: i32) -> (i32, i32) {
    %c0_i32 = arith.constant 0 : i32
    %c0_i32_0 = arith.constant 0 : i32
    return %arg0, %c0_i32 : i32, i32
  }
  func.func @transform_5(%arg0: i32) -> (i32, i32) {
    %c0_i32 = arith.constant 0 : i32
    %c0_i32_0 = arith.constant 0 : i32
    return %arg0, %c0_i32 : i32, i32
  }
}

</mosaic_0001>

<sc_bundles>
// kernel: kernel.5.cloned.1.call-start
scs
__scs_entry_jumppad:
0x0: {  	(pc) =	sbr.rel $0x88, $3  }
0x1: {  	(tag) =	ssettag $0x0;
	lr =	simm.s32 $0x1  }
0x2: {  	[smem:$0x3F99] =	sst lr;
	_ =	strace $0xD0000000  }
0x3: {  	_ = 	snop  }
0x4: {  	_ = 	snop  }
0x5: {  	_ = 	snop  }
0x6: {  	_ = 	snop  }
0x7: {  	_ = 	snop  }
__scs_overlays_trampoline_lowered:
0x8: {  	[smem:$0x3FA8] =	sst s0  }
0x9: {  	[smem:$0x3FA9] =	sst s1  }
0xa: {  	[smem:$0x3FAA] =	sst s2  }
0xb: {  	[smem:$0x3FAB] =	sst s3  }
0xc: {  	[smem:$0x3FAC] =	sst s4  }
0xd: {  	[smem:$0x3FAD] =	sst s5  }
0xe: {  	[smem:$0x3FAE] =	sst s6  }
0xf: {  	[smem:$0x3FAF] =	sst s7  }
0x10: {  	[smem:$0x3FB0] =	sst s8  }
0x11: {  	[smem:$0x3FB1] =	sst s9;
	s0 =	simm.s32 @!p0 $0x0  }
0x12: {  	s1 =	sld [smem:$0x3F97];
	s0 =	simm.s32 @p0 $0x1  }
0x13: {  	[smem:$0x3FB2] =	sst s0;
	s0 =	simm.s32 @!p1 $0x0  }
0x14: {  	s2 =	sld [smem:$0x3F96];
	s0 =	simm.s32 @p1 $0x1  }
0x15: {  	[smem:$0x3FB3] =	sst s0;
	s0 =	simm.s32 @!p2 $0x0  }
0x16: {  	s3 =	sld [smem:$0x3FDB];
	s0 =	simm.s32 @p2 $0x1  }
0x17: {  	s4 =	simm.s32 $0x1BF5;
	[smem:$0x3FB5] =	sst s0  }
0x18: {  	s0 =	sld [smem:$0x3F98];
	_ =	swait.ge [sflag:s4], $0x0  }
0x19: {  	s7 =	sld [smem:$0x3F99]  }
0x1a: {  	s8 =	sadd.s32 $0xFFFFE003, lr  }
0x1b: {  	s9 =	sadd.s32 $0xFFFFFEF7, lr;
	s5 =	simm.s32 $0xFFFFFFFF;
	p2 =	slt.u32 s8, $0xFFFFF086  }
0x1c: {  	p1 =	slt.u32 s9, $0xF7A;
	s5 =	simm.s32 @!p2 $0x0  }
0x1d: {  	s5 =	simm.s32 @p1 $0x1;
	p0 =	seq.s32 s7, s2  }
0x1e: {  	s7 =	smul.u32 @!p0 $0xF7A, s2;
	p2 =	seq.s32 @!p0 s5, $0x0  }
0x1f: {  	s9 =	smul.u32 $0xF7A, s1;
	s8 =	simm.s32 @!p0 $0x1BF5;
	p2 =	por !p2, p0  }
0x20: {  	[sflag:s8] =	ssyncset.s32 @!p0 $0xFFFFF086;
	s6 =	sadd.s32 @!p0 s3, s7;
	s7 =	simm.s32 @!p0 $0x108  }
0x21: {  	s3 =	sadd.s32 s3, s9;
	s6 =	sadd.s32 @!p0 $0x88, s6;
	s7 =	simm.s32 @p2 $0x1082  }
0x22: {  	[simem:s7], [sflag:s8] =	dma.local @!p0 [hbm:s6], $0xF7A  }
0x23: {  	s9 =	sor.u32 $0xD0000000, s2;
	s6 =	simm.s32 $0x108;
	_ =	swait.ge @!p0 [sflag:s8], $0x0  }
0x24: {  	s3 =	sadd.s32 $0x88, s3;
	s6 =	simm.s32 @!p1 $0x1082;
	[sflag:s4] =	ssyncset.s32 $0xFFFFF086  }
0x25: {  	[simem:s6], [sflag:s4] =	dma.local [hbm:s3], $0xF7A  }
0x26: {  	[smem:$0x3F99] =	sst s1;
	(tag) =	ssettag s2;
	_ =	strace s9  }
0x27: {  	s1 =	sld [smem:$0x3FA9]  }
0x28: {  	s2 =	sld [smem:$0x3FAA]  }
0x29: {  	s4 =	sld [smem:$0x3FAC]  }
0x2a: {  	p0 =	seq.s32 s5, $0x0;
	s5 =	sld [smem:$0x3FAD]  }
0x2b: {  	s6 =	sld [smem:$0x3FAE]  }
0x2c: {  	s7 =	sld [smem:$0x3FAF]  }
0x2d: {  	s3 =	simm.s32 $0x108;
	s8 =	sld [smem:$0x3FB0]  }
0x2e: {  	s3 =	simm.s32 @!p0 $0x1082;
	s9 =	sld [smem:$0x3FB1]  }
0x2f: {  	lr =	sadd.s32 s0, s3;
	s0 =	sld [smem:$0x3FA8]  }
0x30: {  	s3 =	sld [smem:$0x3FAB]  }
0x31: {  	[smem:$0x3FB4] =	sst s10  }
0x32: {  	s10 =	sld [smem:$0x3FB2];
	_ =	sdelay $0x3  }
0x33: {  	p0 =	seq.s32 s10, $0x1;
	s10 =	sld [smem:$0x3FB4];
	_ =	sdelay $0x3  }
0x34: {  	[smem:$0x3FB4] =	sst s10  }
0x35: {  	s10 =	sld [smem:$0x3FB3];
	_ =	sdelay $0x3  }
0x36: {  	p1 =	seq.s32 s10, $0x1;
	s10 =	sld [smem:$0x3FB4];
	_ =	sdelay $0x3  }
0x37: {  	[smem:$0x3FB4] =	sst s10  }
0x38: {  	s10 =	sld [smem:$0x3FB5]  }
0x39: {  	_ = 	snop;
	(pc) =	sbr.ind lr, $3  }
0x3a: {  	_ = 	snop  }
0x3b: {  	_ = 	snop  }
0x3c: {  	p2 =	seq.s32 s10, $0x1;
	s10 =	sld [smem:$0x3FB4]  }
0x3d: {  	_ =	shalt  }
0x3e: {  	_ =	shalt  }
0x3f: {  	_ =	shalt  }
0x40: {  	_ =	shalt  }
0x41: {  	_ =	shalt  }
0x42: {  	_ =	shalt  }
0x43: {  	_ =	shalt  }
0x44: {  	_ =	shalt  }
0x45: {  	_ =	shalt  }
0x46: {  	_ =	shalt  }
0x47: {  	_ =	shalt  }
0x48: {  	_ =	shalt  }
0x49: {  	_ =	shalt  }
0x4a: {  	_ =	shalt  }
0x4b: {  	_ =	shalt  }
0x4c: {  	_ =	shalt  }
0x4d: {  	_ =	shalt  }
0x4e: {  	_ =	shalt  }
0x4f: {  	_ =	shalt  }
0x50: {  	_ =	shalt  }
0x51: {  	_ =	shalt  }
0x52: {  	_ =	shalt  }
0x53: {  	_ =	shalt  }
0x54: {  	_ =	shalt  }
0x55: {  	_ =	shalt  }
0x56: {  	_ =	shalt  }
0x57: {  	_ =	shalt  }
0x58: {  	_ =	shalt  }
0x59: {  	_ =	shalt  }
0x5a: {  	_ =	shalt  }
0x5b: {  	_ =	shalt  }
0x5c: {  	_ =	shalt  }
0x5d: {  	_ =	shalt  }
0x5e: {  	_ =	shalt  }
0x5f: {  	_ =	shalt  }
0x60: {  	_ =	shalt  }
0x61: {  	_ =	shalt  }
0x62: {  	_ =	shalt  }
0x63: {  	_ =	shalt  }
0x64: {  	_ =	shalt  }
0x65: {  	_ =	shalt  }
0x66: {  	_ =	shalt  }
0x67: {  	_ =	shalt  }
0x68: {  	_ =	shalt  }
0x69: {  	_ =	shalt  }
0x6a: {  	_ =	shalt  }
0x6b: {  	_ =	shalt  }
0x6c: {  	_ =	shalt  }
0x6d: {  	_ =	shalt  }
0x6e: {  	_ =	shalt  }
0x6f: {  	_ =	shalt  }
0x70: {  	_ =	shalt  }
0x71: {  	_ =	shalt  }
0x72: {  	_ =	shalt  }
0x73: {  	_ =	shalt  }
0x74: {  	_ =	shalt  }
0x75: {  	_ =	shalt  }
0x76: {  	_ =	shalt  }
0x77: {  	_ =	shalt  }
0x78: {  	_ =	shalt  }
0x79: {  	_ =	shalt  }
0x7a: {  	_ =	shalt  }
0x7b: {  	_ =	shalt  }
0x7c: {  	_ =	shalt  }
0x7d: {  	_ =	shalt  }
0x7e: {  	_ =	shalt  }
0x7f: {  	_ =	shalt  }
0x80: {  	_ =	shalt  }
0x81: {  	_ =	shalt  }
0x82: {  	_ =	shalt  }
0x83: {  	_ =	shalt  }
0x84: {  	_ =	shalt  }
0x85: {  	_ =	shalt  }
0x86: {  	_ =	shalt  }
0x87: {  	_ =	shalt  }
.Lfunc_end0:
.L_simem_size_0:
called_computation_lowered:
.L_overlay_start_0:
0x88: {  	s2 =	sld [smem:$0x3FD9]  }
0x89: {  	s3 =	sld [smem:$0x3FFE];
	_ =	sdelay $0x1  }
0x8a: {  	s1 =	srdreg.scid  }
0x8b: {  	s0 =	sand.u32 $0x1, s1  }
0x8c: {  	s14 =	sshll.u32 s0, $0xA;
	s2 =	sadd.s32 s3, s2  }
0x8d: {  	s2 =	sadd.s32 s2, s14  }
0x8e: {  	[smem:$0x3FC0] =	sst s2  }
0x8f: {  	_ = 	snop  }
0x90: {  	s2 =	sld [smem:$0x3FD0];
	_ =	sdelay $0x2  }
0x91: {  	s15 =	simm.s32 $0xA;
	s4 =	simm.s32 $0x10  }
0x92: {  	[smem:s4], [sflag:s15] =	dma.local [hbm:s2], $0x1  }
0x93: {  	_ =	swait.eq [sflag:s15], $0x1  }
0x94: {  	s16 =	sld [smem:$0x11];
	[sflag:s15] =	ssyncset.done $0x0  }
0x95: {  	s17 =	sld [smem:$0x12];
	[sflag:s15] =	ssyncadd.s32 $0xFFFFFFFF  }
0x96: {  	s18 =	sld [smem:$0x13];
	(tm) =	ssettm $0x1  }
0x97: {  	s5 =	sld [smem:$0x3FFB];
	_ =	sdelay $0x3  }
0x98: {  	_ =	strace s5  }
0x99: {  	s5 =	sld [smem:$0x3FFC];
	_ =	sdelay $0x3  }
0x9a: {  	_ =	strace s5  }
0x9b: {  	s5 =	sld [smem:$0x3FFD];
	_ =	sdelay $0x3  }
0x9c: {  	_ =	strace s5  }
0x9d: {  	_ =	strace $0x8FFFFFFF  }
0x9e: {  	s19 =	sld [smem:$0x3FDB];
	_ =	sdelay $0x1  }
0x9f: {  	s6 =	simm.s32 $_scs_section_size  }
0xa0: {  	s7 =	simm.s32 $_size__tile_overlayer_lowered;
	s8 =	simm.s32 $_tile_overlayer_lowered  }
0xa1: {  	s22 =	simm.s32 $0x1BFF;
	s21 =	sshll.u32 s8, $0x1;
	s5 =	sadd.s32 s6, s19  }
0xa2: {  	s9 =	simm.s32 $0x0;
	s20 =	sshll.u32 s7, $0x1;
	s7 =	sadd.s32 s21, s5  }
0xa3: {  	[timem:s9], [sflag:s22] =	dma.local [hbm:s7], s20  }
0xa4: {  	_ =	swait.ge [sflag:s22], s20  }
0xa5: {  	s6 =	ssub.s32 $0x0, s20;
	[sflag:s22] =	ssyncset.done $0x0  }
0xa6: {  	[sflag:s22] =	ssyncadd.s32 s6;
	_ =	sdelay $0x1  }
0xa7: {  	s23 =	simm.s32 $0x1B8B  }
0xa8: {  	_ =	swait.ge [sflag:s23], $0x1  }
0xa9: {  	[sflag:s23] =	ssyncset.done $0x0  }
0xaa: {  	s25 =	simm.s32 $0x1B8E;
	s24 =	sld [smem:$0x3FFE];
	[sflag:s23] =	ssyncadd.s32 $0xFFFFFFFF  }
0xab: {  	s26 =	simm.s32 $execute0_lowered;
	[smem:$0x3FD2] =	sst s25  }
0xac: {  	s7 =	sshll.u32 s26, $0x1;
	_ =	strace $0x80000046;
	[dreg:$0x1] =	wrdreg $0xFFFFFFFF  }
0xad: {  	s28 =	simm.s32 $_size_execute0_lowered;
	s5 =	sadd.s32 s5, s7;
	[dreg:$0x0] =	wrdreg $0x0  }
0xae: {  	s7 =	sshll.u32 s28, $0x1;
	[dreg:$0x2] =	wrdreg s5  }
0xaf: {  	[dreg:$0x3] =	wrdreg s7  }
0xb0: {  	[dreg:$0x4] =	wrdreg $0xC0  }
0xb1: {  	_ =	task [dreg:s9], $0x5FFFF  }
0xb2: {  	[dreg:$0x1] =	wrdreg $0xFFFFFFFF  }
0xb3: {  	[dreg:$0x0] =	wrdreg $0x60  }
0xb4: {  	[dreg:$0x2] =	wrdreg s18  }
0xb5: {  	[dreg:$0x3] =	wrdreg s24  }
0xb6: {  	[dreg:$0x4] =	wrdreg s16  }
0xb7: {  	[dreg:$0x5] =	wrdreg s17  }
0xb8: {  	[dreg:$0x6] =	wrdreg $0x0  }
0xb9: {  	[dreg:$0x7] =	wrdreg $0x9  }
0xba: {  	_ =	task.clear_ibuf [dreg:s9], $0x8FFFF;
	_ =	strace $0x90000046  }
0xbb: {  	s29 =	simm.s32 $0x9;
	_ =	strace $0x80000048  }
0xbc: {  	_ =	swait.ge [sflag:s29], $0x1  }
0xbd: {  	[sflag:s29] =	ssyncadd.s32 $0xFFFFFFFF  }
0xbe: {  	_ =	strace $0x90000048  }
0xbf: {  	_ =	sfence  }
0xc0: {  	s30 =	sld [smem:$0x0];
	_ =	sdelay $0x2  }
0xc1: {  	s31 =	sshll.u32 s1, $0xD;
	s1 =	sshrl.u32 s1, $0x2  }
0xc2: {  	s3 =	sand.u32 $0x4000, s31;
	s1 =	sadd.s32 s1, s30  }
0xc3: {  	s0 =	sor.u32 s3, s0;
	s1 =	sshll.u32 s1, $0x11  }
0xc4: {  	s0 =	sor.u32 s1, s0  }
0xc5: {  	s0 =	sadd.s32 $0x8F2B, s0  }
0xc6: {  	[sflag:s0] =	ssyncadd.remote.s32 $0x1  }
0xc7: {  	_ =	sfence.sel $0xFFFF  }
0xc8: {  	[dreg:$0x0] =	wrdreg $0xFFFFFFFF;
	(pc) =	sbr.abs _section_cstart, $3  }
0xc9: {  	[dreg:$0x1] =	wrdreg $0xFFFFFFFF  }
0xca: {  	_ =	task.clear_ibuf [dreg:s9], $0x2FFFF;
	_ =	strace $0x9FFFFFFF  }
0xcb: {  	(tm) =	ssettm $0x7FFFFFFF  }
tec
execute0_lowered:
.L_overlay_start_1:
0x0: {  	(tag) =	ssettag $0x1  }
0x1: {  	s0 =	rddreg [dreg:$0x0]  }
0x2: {  	s1 =	rddreg [dreg:$0x1]  }
0x3: {  	s14 =	rddreg [dreg:$0x2]  }
0x4: {  	s2 =	rddreg [dreg:$0x3];
	s4 =	srdreg.scid  }
0x5: {  	s10 =	stileid.u32;
	s3 =	rddreg [dreg:$0x4];
	s19 =	simm.s32 $0x3  }
0x6: {  	s20 =	simm.s32 $0x9C40;
	s21 =	simm.s32 $0xC440;
	s28 =	simm.s32 $0x1  }
0x7: {  	s29 =	simm.s32 $0x2;
	s30 =	simm.s32 $0x13B50;
	s31 =	simm.s32 $0x11350  }
0x8: {  	s5 =	sand.u32 $0x1, s4;
	s6 =	sshll.u32 s10, $0x1;
	s4 =	simm.s32 $0x0  }
0x9: {  	s8 =	sadd.s32 $0x1400, s1;
	s9 =	smul.u32 $0x9C40, s10;
	s24 =	sshll.u32 s10, $0x6  }
0xa: {  	s14 =	sadd.s32 $0x4E2, s14;
	s6 =	sor.u32 s5, s6;
	[smem:$0x7FF] =	sst s4  }
0xb: {  	s5 =	ssub.s32 $0x2, s5;
	s7 =	smul.u32 $0xA000, s6;
	_ =	strace $0x80000047  }
0xc: {  	s22 =	sshrl.u32 s5, $0x1;
	s6 =	smul.u32 $0x2800, s6;
	s23 =	sshrl.u32 s9, $0x3  }
0xd: {  	s18 =	sadd.s32 s9, s3;
	s17 =	ssub.s32 s5, s22;
	s5 =	sadd.s32 s0, s23  }
0xe: {  	s18 =	sshrl.u32 s18, $0x3;
	s22 =	simm.s32 $0xEC40;
	s23 =	simm.s32 $0x40  }
0xf: {  	s7 =	sshrl.u32 s7, $0x3;
	s25 =	sshrl.u32 s6, $0x3;
	s6 =	sor.u32 $0x1C03, s24  }
0x10: {  	s11 =	sadd.s32 $0x13880, s5;
	s17 =	smax.u32 s17, $0x1;
	s24 =	simm.s32 $0x1DB50  }
0x11: {  	s1 =	sadd.s32 s7, s1;
	s7 =	sadd.s32 s8, s25;
	s26 =	sadd.s32 $0xA000, s25  }
0x12: {  	s10 =	sadd.s32 s2, s25;
	s25 =	simm.s32 $0x9C80;
	s8 =	sadd.s32 s8, s26  }
0x13: {  	s9 =	sadd.s32 $0x29400, s1;
	s12 =	sadd.s32 $0x14000, s7;
	s13 =	sadd.s32 $0x1E000, s7  }
0x14: {  	s15 =	sadd.s32 $0x51400, s1;
	s16 =	sadd.s32 s2, s26;
	s26 =	simm.s32 $0x1EB50  }
0x15: {  	s2 =	simm.s32 $0x0;
	[dreg:$0x6] =	wrdreg s8;
	s8 =	smov.u32 s5  }
.LBB2_1:
0x16: {  	[spmem:s18], [sflag:s6] =	dma.local [hbm:s8], $0x1388  }
0x17: {  	_ =	swait.ge [sflag:s19], $0x1388  }
0x18: {  	[sflag:s19] =	ssyncset.done $0x0  }
0x19: {  	[sflag:s19] =	ssyncadd.s32 $0xFFFFEC78  }
0x1a: {  	[tilespmem:s20], [sflag:$0x3] =	stream.linear.gather [hbm4b:s7+s4], $0x2800, $0x38;
	[tilespmem:$0x1FB50] =	vst v63  }
0x1b: {  	_ =	swait.ge [sflag:s19], $0x2800  }
0x1c: {  	[sflag:s19] =	ssyncset.done $0x0  }
0x1d: {  	s0 =	rddreg [dreg:$0x6];
	[sflag:s19] =	ssyncadd.s32 $0xFFFFD800  }
0x1e: {  	[tilespmem:s21], [sflag:$0x3] =	stream.linear.gather [hbm4b:s0+s4], $0x2800, $0x38;
	[tilespmem:$0x1FB50] =	vst v63  }
0x1f: {  	_ =	swait.ge [sflag:s19], $0x2800  }
0x20: {  	[sflag:s19] =	ssyncset.done $0x0  }
0x21: {  	[sflag:s19] =	ssyncadd.s32 $0xFFFFD800  }
0x22: {  	s1 =	rddreg [dreg:$0x2]  }
0x23: {  	[tilespmem:s22], [sflag:$0x3] =	stream.linear.gather [hbm4b:s1+s4], $0x2710, $0x38;
	[tilespmem:$0x1FB50] =	vst v63  }
0x24: {  	_ =	swait.ge [sflag:s19], $0x2710  }
0x25: {  	[sflag:s19] =	ssyncset.done $0x0  }
0x26: {  	[sflag:s19] =	ssyncadd.s32 $0xFFFFD8F0  }
0x27: {  	[bflag:$0x0] =	sbarrier.arrive $0xFFFF  }
0x28: {  	[tilespmem:s24], [sflag:$0x1] =	stream.indirect.gather [spmem:s3], $0x40, s20, s23, $0xb8;
	[tilespmem:$0x1FB50] =	vst v63  }
0x29: {  	_ = 	snop  }
0x2a: {  	[tilespmem:s26], [sflag:$0x2] =	stream.indirect.gather [spmem:s3], $0x40, s25, s23, $0xb8;
	[tilespmem:$0x1FB50] =	vst v63  }
0x2b: {  	_ =	swait.ge [sflag:s28], $0x1000  }
0x2c: {  	[sflag:s28] =	ssyncset.done $0x0  }
0x2d: {  	s5 =	simm.s32 $0x9CC0;
	[sflag:s28] =	ssyncadd.s32 $0xFFFFF000  }
0x2e: {  	[tilespmem:s24], [sflag:$0x1] =	stream.indirect.gather [spmem:s3], $0x40, s5, s23, $0xb8;
	[tilespmem:$0x1FB50] =	vst v63  }
0x2f: {  	_ =	swait.ge [sflag:s29], $0x1000  }
0x30: {  	[sflag:s29] =	ssyncset.done $0x0  }
0x31: {  	s0 =	simm.s32 $0xFFFF6400;
	s1 =	simm.s32 $0x9D00;
	[sflag:s29] =	ssyncadd.s32 $0xFFFFF000  }
.LBB2_2:
0x32: {  	[tilespmem:s26], [sflag:$0x2] =	stream.indirect.gather [spmem:s3], $0x40, s1, s23, $0xb8;
	[tilespmem:$0x1FB50] =	vst v63  }
0x33: {  	s1 =	smov.u32 s0  }
0x34: {  	p0 =	sne.s32 s0, $0xFFFFFE00;
	s0 =	sadd.s32 $0x200, s0;
	_ =	swait.ge [sflag:s28], $0x1000  }
0x35: {  	s1 =	sshra.s32 s1, $0x2;
	[sflag:s28] =	ssyncset.done $0x0  }
.Ltmp0:
0x36: {  	s5 =	sadd.s32 $0xC440, s1;
	[sflag:s28] =	ssyncadd.s32 $0xFFFFF000;
	(pc) =	sbr.rel @p0 .LBB2_2-.Ltmp0, $4  }
0x37: {  	[tilespmem:s24], [sflag:$0x1] =	stream.indirect.gather [spmem:s3], $0x40, s5, s23, $0xb8;
	[tilespmem:$0x1FB50] =	vst v63  }
0x38: {  	_ =	swait.ge [sflag:s29], $0x1000  }
0x39: {  	[sflag:s29] =	ssyncset.done $0x0  }
0x3a: {  	s1 =	sadd.s32 $0xC480, s1;
	[sflag:s29] =	ssyncadd.s32 $0xFFFFF000  }
0x3b: {  	[tilespmem:s26], [sflag:$0x2] =	stream.indirect.gather [spmem:s3], $0x40, s1, s23, $0xb8;
	[tilespmem:$0x1FB50] =	vst v63  }
0x3c: {  	_ =	swait.ge [sflag:s28], $0x1000  }
0x3d: {  	[sflag:s28] =	ssyncset.done $0x0  }
0x3e: {  	[sflag:s28] =	ssyncadd.s32 $0xFFFFF000  }
0x3f: {  	_ =	swait.ge [sflag:s29], $0x1000  }
0x40: {  	[sflag:s29] =	ssyncset.done $0x0  }
0x41: {  	[sflag:s29] =	ssyncadd.s32 $0xFFFFF000  }
0x42: {  	[hbm4b:s9+s4] =	stream.linear.scatter [tilespmem:s30], [sflag:$0x3], $0xA000, $0x38;
	[tilespmem:$0x1FB50] =	vst v63  }
0x43: {  	_ =	swait.ge [sflag:s19], $0xA000  }
0x44: {  	[sflag:s19] =	ssyncset.done $0x0  }
0x45: {  	[sflag:s19] =	ssyncadd.s32 $0xFFFF6000  }
0x46: {  	[hbm4b:s10+s4] =	stream.linear.scatter [tilespmem:s31], [sflag:$0x3], $0x2800, $0x38;
	[tilespmem:$0x1FB50] =	vst v63  }
0x47: {  	_ =	swait.ge [sflag:s19], $0x2800  }
0x48: {  	[sflag:s19] =	ssyncset.done $0x0  }
0x49: {  	[sflag:s19] =	ssyncadd.s32 $0xFFFFD800  }
0x4a: {  	[bflag:$0x0] =	sbarrier.arrive $0xFFFF  }
0x4b: {  	[spmem:s18], [sflag:s6] =	dma.local [hbm:s11], $0x1388  }
0x4c: {  	_ =	swait.ge [sflag:s19], $0x1388  }
0x4d: {  	[sflag:s19] =	ssyncset.done $0x0  }
0x4e: {  	[sflag:s19] =	ssyncadd.s32 $0xFFFFEC78  }
0x4f: {  	[tilespmem:s20], [sflag:$0x3] =	stream.linear.gather [hbm4b:s12+s4], $0x2800, $0x38;
	[tilespmem:$0x1FB50] =	vst v63  }
0x50: {  	_ =	swait.ge [sflag:s19], $0x2800  }
0x51: {  	[sflag:s19] =	ssyncset.done $0x0  }
0x52: {  	[sflag:s19] =	ssyncadd.s32 $0xFFFFD800  }
0x53: {  	[tilespmem:s21], [sflag:$0x3] =	stream.linear.gather [hbm4b:s13+s4], $0x2800, $0x38;
	[tilespmem:$0x1FB50] =	vst v63  }
0x54: {  	_ =	swait.ge [sflag:s19], $0x2800  }
0x55: {  	[sflag:s19] =	ssyncset.done $0x0  }
0x56: {  	[sflag:s19] =	ssyncadd.s32 $0xFFFFD800  }
0x57: {  	[tilespmem:s22], [sflag:$0x3] =	stream.linear.gather [hbm4b:s14+s4], $0x2710, $0x38;
	[tilespmem:$0x1FB50] =	vst v63  }
0x58: {  	_ =	swait.ge [sflag:s19], $0x2710  }
0x59: {  	[sflag:s19] =	ssyncset.done $0x0  }
0x5a: {  	[sflag:s19] =	ssyncadd.s32 $0xFFFFD8F0  }
0x5b: {  	[bflag:$0x0] =	sbarrier.arrive $0xFFFF  }
0x5c: {  	[tilespmem:s24], [sflag:$0x1] =	stream.indirect.gather [spmem:s3], $0x40, s20, s23, $0xb8;
	[tilespmem:$0x1FB50] =	vst v63  }
0x5d: {  	_ = 	snop  }
0x5e: {  	[tilespmem:s26], [sflag:$0x2] =	stream.indirect.gather [spmem:s3], $0x40, s25, s23, $0xb8;
	[tilespmem:$0x1FB50] =	vst v63  }
0x5f: {  	_ =	swait.ge [sflag:s28], $0x1000  }
0x60: {  	[sflag:s28] =	ssyncset.done $0x0  }
0x61: {  	s0 =	simm.s32 $0x9CC0;
	[sflag:s28] =	ssyncadd.s32 $0xFFFFF000  }
0x62: {  	[tilespmem:s24], [sflag:$0x1] =	stream.indirect.gather [spmem:s3], $0x40, s0, s23, $0xb8;
	[tilespmem:$0x1FB50] =	vst v63  }
0x63: {  	_ =	swait.ge [sflag:s29], $0x1000  }
0x64: {  	[sflag:s29] =	ssyncset.done $0x0  }
0x65: {  	s1 =	simm.s32 $0x9D00;
	s0 =	simm.s32 $0xFFFF6400;
	[sflag:s29] =	ssyncadd.s32 $0xFFFFF000  }
.LBB2_4:
0x66: {  	[tilespmem:s26], [sflag:$0x2] =	stream.indirect.gather [spmem:s3], $0x40, s1, s23, $0xb8;
	[tilespmem:$0x1FB50] =	vst v63  }
0x67: {  	s1 =	smov.u32 s0  }
0x68: {  	p0 =	sne.s32 s0, $0xFFFFFE00;
	s0 =	sadd.s32 $0x200, s0;
	_ =	swait.ge [sflag:s28], $0x1000  }
0x69: {  	s1 =	sshra.s32 s1, $0x2;
	[sflag:s28] =	ssyncset.done $0x0  }
.Ltmp1:
0x6a: {  	s5 =	sadd.s32 $0xC440, s1;
	[sflag:s28] =	ssyncadd.s32 $0xFFFFF000;
	(pc) =	sbr.rel @p0 .LBB2_4-.Ltmp1, $4  }
0x6b: {  	[tilespmem:s24], [sflag:$0x1] =	stream.indirect.gather [spmem:s3], $0x40, s5, s23, $0xb8;
	[tilespmem:$0x1FB50] =	vst v63  }
0x6c: {  	_ =	swait.ge [sflag:s29], $0x1000  }
0x6d: {  	[sflag:s29] =	ssyncset.done $0x0  }
0x6e: {  	s1 =	sadd.s32 $0xC480, s1;
	[sflag:s29] =	ssyncadd.s32 $0xFFFFF000  }
0x6f: {  	[tilespmem:s26], [sflag:$0x2] =	stream.indirect.gather [spmem:s3], $0x40, s1, s23, $0xb8;
	[tilespmem:$0x1FB50] =	vst v63  }
0x70: {  	_ =	swait.ge [sflag:s28], $0x1000  }
0x71: {  	[sflag:s28] =	ssyncset.done $0x0  }
0x72: {  	[sflag:s28] =	ssyncadd.s32 $0xFFFFF000  }
0x73: {  	_ =	swait.ge [sflag:s29], $0x1000  }
0x74: {  	[sflag:s29] =	ssyncset.done $0x0  }
0x75: {  	[sflag:s29] =	ssyncadd.s32 $0xFFFFF000  }
0x76: {  	[hbm4b:s15+s4] =	stream.linear.scatter [tilespmem:s30], [sflag:$0x3], $0xA000, $0x38;
	[tilespmem:$0x1FB50] =	vst v63  }
0x77: {  	_ =	swait.ge [sflag:s19], $0xA000  }
0x78: {  	s2 =	sadd.s32 $0x1, s2;
	[sflag:s19] =	ssyncset.done $0x0  }
0x79: {  	p0 =	sne.s32 s2, s17;
	[sflag:s19] =	ssyncadd.s32 $0xFFFF6000  }
0x7a: {  	[hbm4b:s16+s4] =	stream.linear.scatter [tilespmem:s31], [sflag:$0x3], $0x2800, $0x38;
	[tilespmem:$0x1FB50] =	vst v63  }
.Ltmp2:
0x7b: {  	_ =	swait.ge [sflag:s19], $0x2800;
	(pc) =	sbr.rel @p0 .LBB2_1-.Ltmp2, $3  }
0x7c: {  	[sflag:s19] =	ssyncset.done $0x0  }
0x7d: {  	[sflag:s19] =	ssyncadd.s32 $0xFFFFD800  }
0x7e: {  	[bflag:$0x0] =	sbarrier.arrive $0xFFFF;
	_ =	sdelay $0x1  }
0x7f: {  	_ =	sfence.sel $0x180000  }
0x80: {  	[bflag:$0x0] =	sbarrier.arrive $0xFFFF  }
0x81: {  	_ =	strace $0x90000047  }
0x82: {  	s0 =	stileid.u32;
	[bflag:$0x2] =	sbarrier.arrive $0xFFFF  }
0x83: {  	p0 =	sne.s32 s0, $0x0;
	s0 =	rddreg [dreg:$0x5]  }
0x84: {  	s0 =	sadd.s32 @!p0 $0x100000, s0  }
0x85: {  	[sflag:s0] =	ssyncadd.tile.s32 @!p0 $0x1;
	_ =	shalt  }
.Lfunc_end2:
_tile_overlayer_lowered:
.L_overlay_start_2:
0x86: {  	(tag) =	ssettag $0x2  }
0x87: {  	s0 =	rddreg [dreg:$0x0];
	s2 =	stileid.u32  }
0x88: {  	s1 =	rddreg [dreg:$0x1];
	p0 =	sne.s32 s2, $0x0  }
0x89: {  	s3 =	rddreg [dreg:$0x2];
	[bflag:$0x3] =	sbarrier.arrive $0xFFFF;
	s2 =	simm.s32 @!p0 $0x1C03  }
0x8a: {  	[timem:s3], [sflag:s2] =	dma.local @!p0 [hbm:s0], s1  }
0x8b: {  	s0 =	simm.s32 @!p0 $0x3  }
0x8c: {  	_ =	swait.ge @!p0 [sflag:s0], s1  }
0x8d: {  	s1 =	ssub.s32 @!p0 $0x0, s1;
	[sflag:s0] =	ssyncset.done @!p0 $0x0  }
0x8e: {  	[sflag:s0] =	ssyncadd.s32 @!p0 s1  }
0x8f: {  	[bflag:$0x3] =	sbarrier.arrive $0xFFFF  }
0x90: {  	_ =	shalt  }

</sc_bundles>
